<compile_context>
chip_gen: v7x
topology: tpu7x:2x2x1
jax: 0.10.2.dev20260603
libtpu: 0.0.44.dev20260713+nightly
codegen_flags: <defaults>
</compile_context>

<pallas_src>
import functools

import jax
import jax.numpy as jnp
from jax.experimental import pallas as pl
from jax.experimental.pallas import tpu as pltpu
from jax.experimental.pallas import tpu_sc as plsc

_NUM_TIMESTEPS = 1000
_BETA_START = 1e-4
_BETA_END = 0.02
_TAB_PAD = 1024


def _sc_gather_coeffs(tabs, t):
    B = t.shape[0]
    mesh = plsc.VectorSubcoreMesh(
        core_axis_name="c", subcore_axis_name="s", num_cores=1, num_subcores=1
    )

    @functools.partial(
        pl.kernel,
        out_type=jax.ShapeDtypeStruct((2 * B,), jnp.float32),
        mesh=mesh,
        compiler_params=pltpu.CompilerParams(needs_layout_passes=False),
        scratch_types=[
            pltpu.VMEM((2, _TAB_PAD), jnp.float32),
            pltpu.VMEM((B,), jnp.int32),
            pltpu.VMEM((2 * B,), jnp.float32),
            pltpu.SemaphoreType.DMA,
            pltpu.SemaphoreType.DMA,
        ],
    )
    def gather_kernel(tabs_hbm, t_hbm, c_out, tabs_v, t_v, c_v, sem1, sem2):
        cp1 = pltpu.make_async_copy(tabs_hbm, tabs_v, sem1)
        cp2 = pltpu.make_async_copy(t_hbm, t_v, sem2)
        cp1.start()
        cp2.start()
        cp1.wait()
        cp2.wait()
        for i in range(B // 16):
            idx = t_v[pl.ds(i * 16, 16)]
            c_v[pl.ds(i * 16, 16)] = plsc.load_gather(
                tabs_v, [jnp.zeros((16,), jnp.int32), idx]
            )
            c_v[pl.ds(B + i * 16, 16)] = plsc.load_gather(
                tabs_v, [jnp.ones((16,), jnp.int32), idx]
            )
        pltpu.sync_copy(c_v, c_out)

    return gather_kernel(tabs, t)


def _fma_body(c_ref, x_ref, n_ref, o_ref):
    i = pl.program_id(0)
    B = pl.num_programs(0)
    a = c_ref[i]
    b = c_ref[B + i]
    o_ref[...] = a * x_ref[...] + b * n_ref[...]


def kernel(x_start, t, noise):
    B, C, H, W = x_start.shape

    betas = jnp.linspace(_BETA_START, _BETA_END, _NUM_TIMESTEPS, dtype=jnp.float32)
    ac = jnp.cumprod(1.0 - betas, axis=0)
    pad = jnp.zeros((_TAB_PAD - _NUM_TIMESTEPS,), jnp.float32)
    tabs = jnp.stack(
        [
            jnp.concatenate([jnp.sqrt(ac), pad]),
            jnp.concatenate([jnp.sqrt(1.0 - ac), pad]),
        ]
    )

    coeffs = _sc_gather_coeffs(tabs, t)

    blk = (1, C, H, W)
    idx = lambda i: (i, 0, 0, 0)
    out = pl.pallas_call(
        _fma_body,
        grid=(B,),
        in_specs=[
            pl.BlockSpec(memory_space=pltpu.SMEM),
            pl.BlockSpec(blk, idx),
            pl.BlockSpec(blk, idx),
        ],
        out_specs=pl.BlockSpec(blk, idx),
        out_shape=jax.ShapeDtypeStruct((B, C, H, W), jnp.float32),
    )(coeffs, x_start, noise)
    return out

# --- scband reference (transcript-rebuilt; emitter-appended) ---
"""Pipeline reference for scband-ddim-52364241273133 (READ-ONLY COPY).

The authoritative reference and input builder live on the scoring server;
editing this copy changes nothing except your own understanding.
"""

import jax, jax.numpy as jnp
import numpy as np

NUM_TIMESTEPS = 1000
BETA_START = 1e-4
BETA_END = 0.02


def setup_inputs(seed: int = 0) -> dict:
    key = jax.random.key(seed)
    k1, k2, k3 = jax.random.split(key, 3)
    x_start = jax.random.normal(k1, (32, 3, 512, 512), dtype=jnp.float32)
    t = jax.random.randint(k2, (32,), 0, NUM_TIMESTEPS, dtype=jnp.int64 if jax.config.read('jax_enable_x64') else jnp.int32).astype(jnp.int32)
    noise = jax.random.normal(k3, (32, 3, 512, 512), dtype=jnp.float32)
    return {"x_start": x_start, "t": t, "noise": noise}


def _extract(a, t, x_ndim):
    out = jnp.take(a, t, axis=0)
    return out.reshape((t.shape[0],) + (1,) * (x_ndim - 1))


def reference(x_start, t, noise):
    # q_sample: x_t = sqrt(alphas_cumprod_t) * x_0 + sqrt(1 - alphas_cumprod_t) * noise
    betas = jnp.linspace(BETA_START, BETA_END, NUM_TIMESTEPS, dtype=jnp.float32)
    alphas = 1.0 - betas
    alphas_cumprod = jnp.cumprod(alphas, axis=0)
    sqrt_alphas_cumprod = jnp.sqrt(alphas_cumprod)
    sqrt_one_minus_alphas_cumprod = jnp.sqrt(1.0 - alphas_cumprod)
    a_t = _extract(sqrt_alphas_cumprod, t, x_start.ndim)
    b_t = _extract(sqrt_one_minus_alphas_cumprod, t, x_start.ndim)
    return a_t * x_start + b_t * noise

if __name__ == "__main__":
    import jax
    _d = setup_inputs()
    print(jax.jit(kernel)(*tuple(_d.values())))

</pallas_src>

<mosaic_0001>
#map = affine_map<(d0, d1) -> (0, 0)>
#map1 = affine_map<(d0, d1) -> (0)>
module attributes {stable_mosaic.version = 14 : i64} {
  func.func @gather_kernel(%arg0: i32, %arg1: i32, %arg2: memref<2x1024xf32, #tpu.memory_space<hbm>>, %arg3: memref<32xi32, #tpu.memory_space<hbm>>, %arg4: memref<64xf32, #tpu.memory_space<hbm>>, %arg5: memref<2x1024xf32, #tpu.memory_space<vmem>>, %arg6: memref<32xi32, #tpu.memory_space<vmem>>, %arg7: memref<64xf32, #tpu.memory_space<vmem>>, %arg8: memref<!tpu.dma_semaphore, #tpu.memory_space<semaphore_mem>>, %arg9: memref<!tpu.dma_semaphore, #tpu.memory_space<semaphore_mem>>) attributes {dimension_semantics = [#tpu.dimension_semantics<core_parallel>, #tpu.dimension_semantics<subcore_parallel>], iteration_bounds = array<i64: 1, 1>, scalar_prefetch = 0 : i64, scratch_operands = 5 : i64, tpu.core_type = #tpu.core_type<sc_vector_subcore>, window_params = [{transform_indices = #map}, {transform_indices = #map1}, {transform_indices = #map1}]} {
    tpu.enqueue_dma source(%arg2 : memref<2x1024xf32, #tpu.memory_space<hbm>>) target(%arg5 : memref<2x1024xf32, #tpu.memory_space<vmem>>) target_semaphore(%arg8 : memref<!tpu.dma_semaphore, #tpu.memory_space<semaphore_mem>>)
    tpu.enqueue_dma source(%arg3 : memref<32xi32, #tpu.memory_space<hbm>>) target(%arg6 : memref<32xi32, #tpu.memory_space<vmem>>) target_semaphore(%arg9 : memref<!tpu.dma_semaphore, #tpu.memory_space<semaphore_mem>>)
    tpu.wait_dma2 semaphore(%arg8 : memref<!tpu.dma_semaphore, #tpu.memory_space<semaphore_mem>>) src(%arg2 : memref<2x1024xf32, #tpu.memory_space<hbm>>) dst(%arg5 : memref<2x1024xf32, #tpu.memory_space<vmem>>)
    tpu.wait_dma2 semaphore(%arg9 : memref<!tpu.dma_semaphore, #tpu.memory_space<semaphore_mem>>) src(%arg3 : memref<32xi32, #tpu.memory_space<hbm>>) dst(%arg6 : memref<32xi32, #tpu.memory_space<vmem>>)
    %get3A = arith.constant 0 : index
    %get3A_0 = tpu.vector_load %arg6[%get3A] {strides = array<i32>} : memref<32xi32, #tpu.memory_space<vmem>>, vector<16xi32>,
    %broadcast_in_dim3A = arith.constant 0 : i32
    %broadcast_in_dim3A_1 = vector.broadcast %broadcast_in_dim3A : i32 to vector<16xi32>
    %gather3A = tpu.vector_load_idx %arg5[%broadcast_in_dim3A_1, %get3A_0] : memref<2x1024xf32, #tpu.memory_space<vmem>>[vector<16xi32>, vector<16xi32>], vector<16xf32>,
    %swap3A = arith.constant 0 : index
    %swap3A_2 = tpu.vector_load %arg7[%swap3A] {strides = array<i32>} : memref<64xf32, #tpu.memory_space<vmem>>, vector<16xf32>,
    tpu.vector_store %arg7[%swap3A], %gather3A {strides = array<i32>} : memref<64xf32, #tpu.memory_space<vmem>>, vector<16xf32>,
    %broadcast_in_dim3A_3 = arith.constant 1 : i32
    %broadcast_in_dim3A_4 = vector.broadcast %broadcast_in_dim3A_3 : i32 to vector<16xi32>
    %gather3A_5 = tpu.vector_load_idx %arg5[%broadcast_in_dim3A_4, %get3A_0] : memref<2x1024xf32, #tpu.memory_space<vmem>>[vector<16xi32>, vector<16xi32>], vector<16xf32>,
    %swap3A_6 = arith.constant 32 : index
    %swap3A_7 = tpu.vector_load %arg7[%swap3A_6] {strides = array<i32>} : memref<64xf32, #tpu.memory_space<vmem>>, vector<16xf32>,
    tpu.vector_store %arg7[%swap3A_6], %gather3A_5 {strides = array<i32>} : memref<64xf32, #tpu.memory_space<vmem>>, vector<16xf32>,
    %get3A_8 = arith.constant 16 : index
    %get3A_9 = tpu.vector_load %arg6[%get3A_8] {strides = array<i32>} : memref<32xi32, #tpu.memory_space<vmem>>, vector<16xi32>,
    %broadcast_in_dim3A_10 = arith.constant 0 : i32
    %broadcast_in_dim3A_11 = vector.broadcast %broadcast_in_dim3A_10 : i32 to vector<16xi32>
    %gather3A_12 = tpu.vector_load_idx %arg5[%broadcast_in_dim3A_11, %get3A_9] : memref<2x1024xf32, #tpu.memory_space<vmem>>[vector<16xi32>, vector<16xi32>], vector<16xf32>,
    %swap3A_13 = arith.constant 16 : index
    %swap3A_14 = tpu.vector_load %arg7[%swap3A_13] {strides = array<i32>} : memref<64xf32, #tpu.memory_space<vmem>>, vector<16xf32>,
    tpu.vector_store %arg7[%swap3A_13], %gather3A_12 {strides = array<i32>} : memref<64xf32, #tpu.memory_space<vmem>>, vector<16xf32>,
    %broadcast_in_dim3A_15 = arith.constant 1 : i32
    %broadcast_in_dim3A_16 = vector.broadcast %broadcast_in_dim3A_15 : i32 to vector<16xi32>
    %gather3A_17 = tpu.vector_load_idx %arg5[%broadcast_in_dim3A_16, %get3A_9] : memref<2x1024xf32, #tpu.memory_space<vmem>>[vector<16xi32>, vector<16xi32>], vector<16xf32>,
    %swap3A_18 = arith.constant 48 : index
    %swap3A_19 = tpu.vector_load %arg7[%swap3A_18] {strides = array<i32>} : memref<64xf32, #tpu.memory_space<vmem>>, vector<16xf32>,
    tpu.vector_store %arg7[%swap3A_18], %gather3A_17 {strides = array<i32>} : memref<64xf32, #tpu.memory_space<vmem>>, vector<16xf32>,
    "tpu.region"() ({
      %run_scoped3A = tpu.sem_alloc : memref<!tpu.dma_semaphore, #tpu.memory_space<semaphore_mem>>
      tpu.enqueue_dma source(%arg7 : memref<64xf32, #tpu.memory_space<vmem>>) target(%arg4 : memref<64xf32, #tpu.memory_space<hbm>>) target_semaphore(%run_scoped3A : memref<!tpu.dma_semaphore, #tpu.memory_space<semaphore_mem>>)
      tpu.wait_dma2 semaphore(%run_scoped3A : memref<!tpu.dma_semaphore, #tpu.memory_space<semaphore_mem>>) src(%arg7 : memref<64xf32, #tpu.memory_space<vmem>>) dst(%arg4 : memref<64xf32, #tpu.memory_space<hbm>>)
      tpu.yield
    }) : () -> ()
    return
  }
}

module attributes {stable_mosaic.version = 14 : i64} {
  func.func @_fma_body(%arg0: i32, %arg1: memref<64xf32, #tpu.memory_space<smem>>, %arg2: memref<1x3x512x512xf32, #tpu.memory_space<vmem>>, %arg3: memref<1x3x512x512xf32, #tpu.memory_space<vmem>>, %arg4: memref<1x3x512x512xf32, #tpu.memory_space<vmem>>) attributes {dimension_semantics = [#tpu.dimension_semantics<arbitrary>], iteration_bounds = array<i64: 32>, scalar_prefetch = 0 : i64, scratch_operands = 0 : i64, tpu.core_type = #tpu.core_type<tc>, window_params = [{transform_indices = @transform_0, window_bounds = array<i64: 64>}, {transform_indices = @transform_1, window_bounds = array<i64: 1, 3, 512, 512>}, {transform_indices = @transform_2, window_bounds = array<i64: 1, 3, 512, 512>}, {transform_indices = @transform_3, window_bounds = array<i64: 1, 3, 512, 512>}]} {
    %get3A = arith.index_cast %arg0 : i32 to index
    %get3A_0 = memref.load %arg1[%get3A] : memref<64xf32, #tpu.memory_space<smem>>
    %add3A = arith.constant 32 : i32
    %add3A_1 = arith.addi %add3A, %arg0 : i32
    %get3A_2 = arith.index_cast %add3A_1 : i32 to index
    %get3A_3 = memref.load %arg1[%get3A_2] : memref<64xf32, #tpu.memory_space<smem>>
    %get3A_4 = arith.constant 0 : index
    %get3A_5 = arith.constant 0 : index
    %get3A_6 = arith.constant 0 : index
    %get3A_7 = arith.constant 0 : index
    %get3A_8 = vector.load %arg2[%get3A_4, %get3A_5, %get3A_6, %get3A_7] : memref<1x3x512x512xf32, #tpu.memory_space<vmem>>, vector<1x3x512x512xf32>
    %mul3A = vector.broadcast %get3A_0 : f32 to vector<1x3x512x512xf32>
    %mul3A_9 = arith.mulf %mul3A, %get3A_8 : vector<1x3x512x512xf32>
    %get3A_10 = arith.constant 0 : index
    %get3A_11 = arith.constant 0 : index
    %get3A_12 = arith.constant 0 : index
    %get3A_13 = arith.constant 0 : index
    %get3A_14 = vector.load %arg3[%get3A_10, %get3A_11, %get3A_12, %get3A_13] : memref<1x3x512x512xf32, #tpu.memory_space<vmem>>, vector<1x3x512x512xf32>
    %mul3A_15 = vector.broadcast %get3A_3 : f32 to vector<1x3x512x512xf32>
    %mul3A_16 = arith.mulf %mul3A_15, %get3A_14 : vector<1x3x512x512xf32>
    %add3A_17 = arith.addf %mul3A_9, %mul3A_16 : vector<1x3x512x512xf32>
    %swap3A = arith.constant 0 : index
    %swap3A_18 = arith.constant 0 : index
    %swap3A_19 = arith.constant 0 : index
    %swap3A_20 = arith.constant 0 : index
    %swap3A_21 = vector.load %arg4[%swap3A, %swap3A_18, %swap3A_19, %swap3A_20] : memref<1x3x512x512xf32, #tpu.memory_space<vmem>>, vector<1x3x512x512xf32>
    tpu.vector_store %arg4[%swap3A, %swap3A_18, %swap3A_19, %swap3A_20], %add3A_17 {strides = array<i32>} : memref<1x3x512x512xf32, #tpu.memory_space<vmem>>, vector<1x3x512x512xf32>,
    return
  }
  func.func @transform_0(%arg0: i32) -> i32 {
    %c0_i32 = arith.constant 0 : i32
    %c0_i32_0 = arith.constant 0 : i32
    return %c0_i32 : i32
  }
  func.func @transform_1(%arg0: i32) -> (i32, i32, i32, i32) {
    %c0_i32 = arith.constant 0 : i32
    %c0_i32_0 = arith.constant 0 : i32
    %c0_i32_1 = arith.constant 0 : i32
    %c0_i32_2 = arith.constant 0 : i32
    return %arg0, %c0_i32, %c0_i32_0, %c0_i32_1 : i32, i32, i32, i32
  }
  func.func @transform_2(%arg0: i32) -> (i32, i32, i32, i32) {
    %c0_i32 = arith.constant 0 : i32
    %c0_i32_0 = arith.constant 0 : i32
    %c0_i32_1 = arith.constant 0 : i32
    %c0_i32_2 = arith.constant 0 : i32
    return %arg0, %c0_i32, %c0_i32_0, %c0_i32_1 : i32, i32, i32, i32
  }
  func.func @transform_3(%arg0: i32) -> (i32, i32, i32, i32) {
    %c0_i32 = arith.constant 0 : i32
    %c0_i32_0 = arith.constant 0 : i32
    %c0_i32_1 = arith.constant 0 : i32
    %c0_i32_2 = arith.constant 0 : i32
    return %arg0, %c0_i32, %c0_i32_0, %c0_i32_1 : i32, i32, i32, i32
  }
}

</mosaic_0001>

<sc_bundles>
// kernel: kernel.4.cloned.1.call-start
scs
__scs_entry_jumppad:
0x0: {  	(pc) =	sbr.rel $0x88, $3  }
0x1: {  	(tag) =	ssettag $0x0;
	lr =	simm.s32 $0x1  }
0x2: {  	[smem:$0x3F9E] =	sst lr;
	_ =	strace $0xD0000000  }
0x3: {  	_ = 	snop  }
0x4: {  	_ = 	snop  }
0x5: {  	_ = 	snop  }
0x6: {  	_ = 	snop  }
0x7: {  	_ = 	snop  }
__scs_overlays_trampoline_lowered:
0x8: {  	[smem:$0x3FAD] =	sst s0  }
0x9: {  	[smem:$0x3FAE] =	sst s1  }
0xa: {  	[smem:$0x3FAF] =	sst s2  }
0xb: {  	[smem:$0x3FB0] =	sst s3  }
0xc: {  	[smem:$0x3FB1] =	sst s4  }
0xd: {  	[smem:$0x3FB2] =	sst s5  }
0xe: {  	[smem:$0x3FB3] =	sst s6  }
0xf: {  	[smem:$0x3FB4] =	sst s7  }
0x10: {  	[smem:$0x3FB5] =	sst s8  }
0x11: {  	[smem:$0x3FB6] =	sst s9;
	s0 =	simm.s32 @!p0 $0x0  }
0x12: {  	s1 =	sld [smem:$0x3F9C];
	s0 =	simm.s32 @p0 $0x1  }
0x13: {  	[smem:$0x3FB7] =	sst s0;
	s0 =	simm.s32 @!p1 $0x0  }
0x14: {  	s2 =	sld [smem:$0x3F9B];
	s0 =	simm.s32 @p1 $0x1  }
0x15: {  	[smem:$0x3FB8] =	sst s0;
	s0 =	simm.s32 @!p2 $0x0  }
0x16: {  	s3 =	sld [smem:$0x3FDB];
	s0 =	simm.s32 @p2 $0x1  }
0x17: {  	s4 =	simm.s32 $0x1BF5;
	[smem:$0x3FBA] =	sst s0  }
0x18: {  	s0 =	sld [smem:$0x3F9D];
	_ =	swait.ge [sflag:s4], $0x0  }
0x19: {  	s7 =	sld [smem:$0x3F9E]  }
0x1a: {  	s8 =	sadd.s32 $0xFFFFE003, lr  }
0x1b: {  	s9 =	sadd.s32 $0xFFFFFEF7, lr;
	s5 =	simm.s32 $0xFFFFFFFF;
	p2 =	slt.u32 s8, $0xFFFFF086  }
0x1c: {  	p1 =	slt.u32 s9, $0xF7A;
	s5 =	simm.s32 @!p2 $0x0  }
0x1d: {  	s5 =	simm.s32 @p1 $0x1;
	p0 =	seq.s32 s7, s2  }
0x1e: {  	s7 =	smul.u32 @!p0 $0xF7A, s2;
	p2 =	seq.s32 @!p0 s5, $0x0  }
0x1f: {  	s9 =	smul.u32 $0xF7A, s1;
	s8 =	simm.s32 @!p0 $0x1BF5;
	p2 =	por !p2, p0  }
0x20: {  	[sflag:s8] =	ssyncset.s32 @!p0 $0xFFFFF086;
	s6 =	sadd.s32 @!p0 s3, s7;
	s7 =	simm.s32 @!p0 $0x108  }
0x21: {  	s3 =	sadd.s32 s3, s9;
	s6 =	sadd.s32 @!p0 $0x88, s6;
	s7 =	simm.s32 @p2 $0x1082  }
0x22: {  	[simem:s7], [sflag:s8] =	dma.local @!p0 [hbm:s6], $0xF7A  }
0x23: {  	s9 =	sor.u32 $0xD0000000, s2;
	s6 =	simm.s32 $0x108;
	_ =	swait.ge @!p0 [sflag:s8], $0x0  }
0x24: {  	s3 =	sadd.s32 $0x88, s3;
	s6 =	simm.s32 @!p1 $0x1082;
	[sflag:s4] =	ssyncset.s32 $0xFFFFF086  }
0x25: {  	[simem:s6], [sflag:s4] =	dma.local [hbm:s3], $0xF7A  }
0x26: {  	[smem:$0x3F9E] =	sst s1;
	(tag) =	ssettag s2;
	_ =	strace s9  }
0x27: {  	s1 =	sld [smem:$0x3FAE]  }
0x28: {  	s2 =	sld [smem:$0x3FAF]  }
0x29: {  	s4 =	sld [smem:$0x3FB1]  }
0x2a: {  	p0 =	seq.s32 s5, $0x0;
	s5 =	sld [smem:$0x3FB2]  }
0x2b: {  	s6 =	sld [smem:$0x3FB3]  }
0x2c: {  	s7 =	sld [smem:$0x3FB4]  }
0x2d: {  	s3 =	simm.s32 $0x108;
	s8 =	sld [smem:$0x3FB5]  }
0x2e: {  	s3 =	simm.s32 @!p0 $0x1082;
	s9 =	sld [smem:$0x3FB6]  }
0x2f: {  	lr =	sadd.s32 s0, s3;
	s0 =	sld [smem:$0x3FAD]  }
0x30: {  	s3 =	sld [smem:$0x3FB0]  }
0x31: {  	[smem:$0x3FB9] =	sst s10  }
0x32: {  	s10 =	sld [smem:$0x3FB7];
	_ =	sdelay $0x3  }
0x33: {  	p0 =	seq.s32 s10, $0x1;
	s10 =	sld [smem:$0x3FB9];
	_ =	sdelay $0x3  }
0x34: {  	[smem:$0x3FB9] =	sst s10  }
0x35: {  	s10 =	sld [smem:$0x3FB8];
	_ =	sdelay $0x3  }
0x36: {  	p1 =	seq.s32 s10, $0x1;
	s10 =	sld [smem:$0x3FB9];
	_ =	sdelay $0x3  }
0x37: {  	[smem:$0x3FB9] =	sst s10  }
0x38: {  	s10 =	sld [smem:$0x3FBA]  }
0x39: {  	_ = 	snop;
	(pc) =	sbr.ind lr, $3  }
0x3a: {  	_ = 	snop  }
0x3b: {  	_ = 	snop  }
0x3c: {  	p2 =	seq.s32 s10, $0x1;
	s10 =	sld [smem:$0x3FB9]  }
0x3d: {  	_ =	shalt  }
0x3e: {  	_ =	shalt  }
0x3f: {  	_ =	shalt  }
0x40: {  	_ =	shalt  }
0x41: {  	_ =	shalt  }
0x42: {  	_ =	shalt  }
0x43: {  	_ =	shalt  }
0x44: {  	_ =	shalt  }
0x45: {  	_ =	shalt  }
0x46: {  	_ =	shalt  }
0x47: {  	_ =	shalt  }
0x48: {  	_ =	shalt  }
0x49: {  	_ =	shalt  }
0x4a: {  	_ =	shalt  }
0x4b: {  	_ =	shalt  }
0x4c: {  	_ =	shalt  }
0x4d: {  	_ =	shalt  }
0x4e: {  	_ =	shalt  }
0x4f: {  	_ =	shalt  }
0x50: {  	_ =	shalt  }
0x51: {  	_ =	shalt  }
0x52: {  	_ =	shalt  }
0x53: {  	_ =	shalt  }
0x54: {  	_ =	shalt  }
0x55: {  	_ =	shalt  }
0x56: {  	_ =	shalt  }
0x57: {  	_ =	shalt  }
0x58: {  	_ =	shalt  }
0x59: {  	_ =	shalt  }
0x5a: {  	_ =	shalt  }
0x5b: {  	_ =	shalt  }
0x5c: {  	_ =	shalt  }
0x5d: {  	_ =	shalt  }
0x5e: {  	_ =	shalt  }
0x5f: {  	_ =	shalt  }
0x60: {  	_ =	shalt  }
0x61: {  	_ =	shalt  }
0x62: {  	_ =	shalt  }
0x63: {  	_ =	shalt  }
0x64: {  	_ =	shalt  }
0x65: {  	_ =	shalt  }
0x66: {  	_ =	shalt  }
0x67: {  	_ =	shalt  }
0x68: {  	_ =	shalt  }
0x69: {  	_ =	shalt  }
0x6a: {  	_ =	shalt  }
0x6b: {  	_ =	shalt  }
0x6c: {  	_ =	shalt  }
0x6d: {  	_ =	shalt  }
0x6e: {  	_ =	shalt  }
0x6f: {  	_ =	shalt  }
0x70: {  	_ =	shalt  }
0x71: {  	_ =	shalt  }
0x72: {  	_ =	shalt  }
0x73: {  	_ =	shalt  }
0x74: {  	_ =	shalt  }
0x75: {  	_ =	shalt  }
0x76: {  	_ =	shalt  }
0x77: {  	_ =	shalt  }
0x78: {  	_ =	shalt  }
0x79: {  	_ =	shalt  }
0x7a: {  	_ =	shalt  }
0x7b: {  	_ =	shalt  }
0x7c: {  	_ =	shalt  }
0x7d: {  	_ =	shalt  }
0x7e: {  	_ =	shalt  }
0x7f: {  	_ =	shalt  }
0x80: {  	_ =	shalt  }
0x81: {  	_ =	shalt  }
0x82: {  	_ =	shalt  }
0x83: {  	_ =	shalt  }
0x84: {  	_ =	shalt  }
0x85: {  	_ =	shalt  }
0x86: {  	_ =	shalt  }
0x87: {  	_ =	shalt  }
.Lfunc_end0:
.L_simem_size_0:
called_computation_lowered:
.L_overlay_start_0:
0x88: {  	s0 =	sld [smem:$0x3FD9]  }
0x89: {  	s1 =	sld [smem:$0x3FFE];
	_ =	sdelay $0x3  }
0x8a: {  	s0 =	sadd.s32 s1, s0  }
0x8b: {  	[smem:$0x3FC5] =	sst s0  }
0x8c: {  	_ = 	snop  }
0x8d: {  	s0 =	sld [smem:$0x3FC8]  }
0x8e: {  	s16 =	sld [smem:$0x3FD0];
	(tm) =	ssettm $0x1  }
0x8f: {  	s2 =	sld [smem:$0x3FFB];
	_ =	sdelay $0x3  }
0x90: {  	_ =	strace s2  }
0x91: {  	s2 =	sld [smem:$0x3FFC];
	_ =	sdelay $0x3  }
0x92: {  	_ =	strace s2  }
0x93: {  	s2 =	sld [smem:$0x3FFD];
	_ =	sdelay $0x3  }
0x94: {  	_ =	strace s2  }
0x95: {  	_ =	strace $0x8FFFFFFF  }
0x96: {  	s17 =	sld [smem:$0x3FDB];
	_ =	sdelay $0x1  }
0x97: {  	s3 =	simm.s32 $_scs_section_size  }
0x98: {  	s4 =	simm.s32 $_size__tile_overlayer_lowered;
	s5 =	simm.s32 $_tile_overlayer_lowered  }
0x99: {  	s20 =	simm.s32 $0x1BFF;
	s19 =	sshll.u32 s5, $0x1;
	s2 =	sadd.s32 s3, s17  }
0x9a: {  	s6 =	simm.s32 $0x0;
	s18 =	sshll.u32 s4, $0x1;
	s4 =	sadd.s32 s19, s2  }
0x9b: {  	[timem:s6], [sflag:s20] =	dma.local [hbm:s4], s18  }
0x9c: {  	_ =	swait.ge [sflag:s20], s18  }
0x9d: {  	s3 =	ssub.s32 $0x0, s18;
	[sflag:s20] =	ssyncset.done $0x0  }
0x9e: {  	[sflag:s20] =	ssyncadd.s32 s3;
	_ =	sdelay $0x1  }
0x9f: {  	s21 =	simm.s32 $0x1B8B  }
0xa0: {  	_ =	swait.ge [sflag:s21], $0x1  }
0xa1: {  	[sflag:s21] =	ssyncset.done $0x0  }
0xa2: {  	s23 =	simm.s32 $0x1B8E;
	s22 =	sld [smem:$0x3FFE];
	[sflag:s21] =	ssyncadd.s32 $0xFFFFFFFF  }
0xa3: {  	s24 =	simm.s32 $execute0_lowered;
	[smem:$0x3FD2] =	sst s23  }
0xa4: {  	s4 =	sshll.u32 s24, $0x1;
	_ =	strace $0x80000046;
	[dreg:$0x1] =	wrdreg $0xFFFFFFFF  }
0xa5: {  	s25 =	simm.s32 $_size_execute0_lowered;
	s2 =	sadd.s32 s2, s4;
	[dreg:$0x0] =	wrdreg $0x0  }
0xa6: {  	s4 =	sshll.u32 s25, $0x1;
	[dreg:$0x2] =	wrdreg s2  }
0xa7: {  	[dreg:$0x3] =	wrdreg s4  }
0xa8: {  	[dreg:$0x4] =	wrdreg $0xC0  }
0xa9: {  	_ =	task [dreg:s6], $0x5FFFF  }
0xaa: {  	[dreg:$0x1] =	wrdreg $0xFFFFFFFF  }
0xab: {  	[dreg:$0x0] =	wrdreg $0x60  }
0xac: {  	[dreg:$0x2] =	wrdreg s16  }
0xad: {  	[dreg:$0x3] =	wrdreg s0  }
0xae: {  	[dreg:$0x4] =	wrdreg s22  }
0xaf: {  	[dreg:$0x5] =	wrdreg $0x9  }
0xb0: {  	_ =	task.clear_ibuf [dreg:s6], $0x6FFFF;
	_ =	strace $0x90000046  }
0xb1: {  	s26 =	simm.s32 $0x9;
	_ =	strace $0x80000048  }
0xb2: {  	_ =	swait.ge [sflag:s26], $0x1  }
0xb3: {  	[sflag:s26] =	ssyncadd.s32 $0xFFFFFFFF  }
0xb4: {  	_ =	strace $0x90000048  }
0xb5: {  	_ =	sfence  }
0xb6: {  	s28 =	sld [smem:$0x0];
	_ =	sdelay $0x1  }
0xb7: {  	s29 =	srdreg.scid  }
0xb8: {  	s30 =	sshll.u32 s29, $0xD;
	s31 =	sshrl.u32 s29, $0x2  }
0xb9: {  	s1 =	sand.u32 $0x1, s29;
	s2 =	sand.u32 $0x4000, s30;
	s0 =	sadd.s32 s31, s28  }
0xba: {  	s1 =	sor.u32 s2, s1;
	s0 =	sshll.u32 s0, $0x11  }
0xbb: {  	s0 =	sor.u32 s0, s1  }
0xbc: {  	s0 =	sadd.s32 $0x8F2B, s0  }
0xbd: {  	[sflag:s0] =	ssyncadd.remote.s32 $0x1  }
0xbe: {  	_ =	sfence.sel $0xFFFF  }
0xbf: {  	[dreg:$0x0] =	wrdreg $0xFFFFFFFF;
	(pc) =	sbr.abs _section_cstart, $3  }
0xc0: {  	[dreg:$0x1] =	wrdreg $0xFFFFFFFF  }
0xc1: {  	_ =	task.clear_ibuf [dreg:s6], $0x2FFFF;
	_ =	strace $0x9FFFFFFF  }
0xc2: {  	(tm) =	ssettm $0x7FFFFFFF  }
0xc3: {  	_ =	shalt  }
tec
execute0_lowered:
.L_overlay_start_1:
0x0: {  	(tag) =	ssettag $0x1  }
0x1: {  	s0 =	rddreg [dreg:$0x0]  }
0x2: {  	s1 =	rddreg [dreg:$0x1];
	s3 =	stileid.u32  }
0x3: {  	s2 =	rddreg [dreg:$0x2];
	p0 =	sne.s32 s3, $0x0  }
0x4: {  	s4 =	rddreg [dreg:$0x3];
	_ =	strace $0x80000047;
	s3 =	simm.s32 @!p0 $0x0  }
0x5: {  	[tilespmem:s3], [sflag:$0x1] =	stream.linear.gather @!p0 [hbm4b:s0+s3], $0x800, $0x38;
	[tilespmem:$0x900] =	vst v63  }
0x6: {  	s0 =	simm.s32 @!p0 $0x800  }
0x7: {  	[tilespmem:s0], [sflag:$0x2] =	stream.linear.gather @!p0 [hbm4b:s1+s3], $0x80, $0x38;
	[tilespmem:$0x900] =	vst v63  }
0x8: {  	s0 =	simm.s32 @!p0 $0x1  }
0x9: {  	_ =	swait.ge @!p0 [sflag:s0], $0x800  }
0xa: {  	[sflag:s0] =	ssyncset.done @!p0 $0x0  }
0xb: {  	[sflag:s0] =	ssyncadd.s32 @!p0 $0xFFFFF800;
	s0 =	simm.s32 @!p0 $0x2  }
0xc: {  	_ =	swait.ge @!p0 [sflag:s0], $0x80  }
0xd: {  	[sflag:s0] =	ssyncset.done @!p0 $0x0  }
0xe: {  	[sflag:s0] =	ssyncadd.s32 @!p0 $0xFFFFFF80  }
0xf: {  	v0 =	vld @!p0 [tilespmem:$0x800];
	_ =	sdelay $0x4  }
0x10: {  	v1 =	vshll.u32 @!p0 v0, $0x1  }
0x11: {  	v0 =	vand.u32 @!p0 $0x7F, v0;
	v1 =	vand.u32 @!p0 $0xFFFFFF00, v1  }
0x12: {  	v0 =	vor.u32 @!p0 v0, v1;
	_ =	sdelay $0x3  }
0x13: {  	v2 =	vld @!p0 [tilespmem:$0x810]  }
0x14: {  	v1 =	vld.idx.msk @!p0 [tilespmem:v0+s3+$0x0], $0xffff  }
0x15: {  	v0 =	vor.u32 @!p0 $0x80, v0;
	_ =	sdelay $0x3  }
0x16: {  	[tilespmem:$0x880] =	vst @!p0 v1;
	v1 =	vshll.u32 @!p0 v2, $0x1  }
0x17: {  	v2 =	vand.u32 @!p0 $0x7F, v2;
	v0 =	vld.idx.msk @!p0 [tilespmem:v0+s3+$0x0], $0xffff;
	v1 =	vand.u32 @!p0 $0xFFFFFF00, v1  }
0x18: {  	v1 =	vor.u32 @!p0 v2, v1;
	_ =	sdelay $0x3  }
0x19: {  	[tilespmem:$0x8A0] =	vst @!p0 v0  }
0x1a: {  	v0 =	vld.idx.msk @!p0 [tilespmem:v1+s3+$0x0], $0xffff  }
0x1b: {  	v1 =	vor.u32 @!p0 $0x80, v1;
	_ =	sdelay $0x3  }
0x1c: {  	[tilespmem:$0x890] =	vst @!p0 v0  }
0x1d: {  	v0 =	vld.idx.msk @!p0 [tilespmem:v1+s3+$0x0], $0xffff;
	_ =	sdelay $0x4  }
0x1e: {  	s0 =	simm.s32 @!p0 $0x880;
	[tilespmem:$0x8B0] =	vst @!p0 v0  }
0x1f: {  	[hbm4b:s2+s3] =	stream.linear.scatter @!p0 [tilespmem:s0], [sflag:$0x3], $0x80, $0x38;
	[tilespmem:$0x900] =	vst v63  }
0x20: {  	s0 =	simm.s32 @!p0 $0x3  }
0x21: {  	_ =	swait.ge @!p0 [sflag:s0], $0x80  }
0x22: {  	[sflag:s0] =	ssyncset.done @!p0 $0x0  }
0x23: {  	[sflag:s0] =	ssyncadd.s32 @!p0 $0xFFFFFF80  }
0x24: {  	_ =	sfence.sel $0x180000  }
0x25: {  	[bflag:$0x0] =	sbarrier.arrive $0xFFFF  }
0x26: {  	_ =	strace $0x90000047  }
0x27: {  	s0 =	sadd.s32 @!p0 $0x100000, s4;
	[bflag:$0x2] =	sbarrier.arrive $0xFFFF  }
0x28: {  	[sflag:s0] =	ssyncadd.tile.s32 @!p0 $0x1;
	_ =	shalt  }
.Lfunc_end2:
_tile_overlayer_lowered:
.L_overlay_start_2:
0x29: {  	(tag) =	ssettag $0x2  }
0x2a: {  	s0 =	rddreg [dreg:$0x0];
	s2 =	stileid.u32  }
0x2b: {  	s1 =	rddreg [dreg:$0x1];
	p0 =	sne.s32 s2, $0x0  }
0x2c: {  	s3 =	rddreg [dreg:$0x2];
	[bflag:$0x3] =	sbarrier.arrive $0xFFFF;
	s2 =	simm.s32 @!p0 $0x1C03  }
0x2d: {  	[timem:s3], [sflag:s2] =	dma.local @!p0 [hbm:s0], s1  }
0x2e: {  	s0 =	simm.s32 @!p0 $0x3  }
0x2f: {  	_ =	swait.ge @!p0 [sflag:s0], s1  }
0x30: {  	s1 =	ssub.s32 @!p0 $0x0, s1;
	[sflag:s0] =	ssyncset.done @!p0 $0x0  }
0x31: {  	[sflag:s0] =	ssyncadd.s32 @!p0 s1  }
0x32: {  	[bflag:$0x3] =	sbarrier.arrive $0xFFFF  }
0x33: {  	_ =	shalt  }

</sc_bundles>
